<compile_context>
chip_gen: v7x
topology: tpu7x:2x2x1
jax: 0.10.2.dev20260603
libtpu: 0.0.44.dev20260713+nightly
codegen_flags: <defaults>
</compile_context>

<pallas_src>
import jax
import jax.numpy as jnp
from jax import lax
from jax.experimental import pallas as pl
from jax.experimental.pallas import tpu as pltpu
from jax.experimental.pallas import tpu_sc as plsc

N = 10000
E = 320000
LAT = 128
NLAYERS = 4

NC = 2
NS = 16
NW = NC * NS
CB = 64
NCHUNK = 160
EPT = CB * NCHUNK
E_PAD = NW * EPT
RPT = 632
N_PAD = NS * RPT
DW = 16
CBD = 128
NCHUNKD = EPT // CBD


def _sc_body(hs, hd, ebm, srcp, dstp, z128,
             out,
             acc,
             is0, is1, id0, id1, a0, a1, b0, b1, e0, e1,
             sem0, sem1):
    c = lax.axis_index("c")
    s = lax.axis_index("s")
    wid = c * NS + s
    row0 = s * RPT
    ebase0 = wid * EPT

    pltpu.sync_copy(z128.at[pl.ds(row0, RPT)], acc.at[pl.ds(row0, RPT)])
    plsc.subcore_barrier()

    IS = (is0, is1)
    ID = (id0, id1)
    A = (a0, a1)
    B = (b0, b1)
    EB = (e0, e1)
    SEM = (sem0, sem1)

    def issue(g, b):
        base = ebase0 + g * CB
        pltpu.sync_copy(srcp.at[pl.ds(base, CB)], IS[b])
        pltpu.sync_copy(dstp.at[pl.ds(base, CB)], ID[b])
        pltpu.make_async_copy(hs.at[IS[b]], A[b], SEM[b]).start()
        pltpu.make_async_copy(hd.at[ID[b]], B[b], SEM[b]).start()
        pltpu.make_async_copy(ebm.at[pl.ds(base, CB)], EB[b], SEM[b]).start()

    def waitall(b):
        pltpu.make_async_copy(hs.at[IS[b]], A[b], SEM[b]).wait()
        pltpu.make_async_copy(hd.at[ID[b]], B[b], SEM[b]).wait()
        pltpu.make_async_copy(ebm.at[pl.ds(0, CB)], EB[b], SEM[b]).wait()

    def compute(b):
        ab, bb, eb = A[b], B[b], EB[b]

        @plsc.parallel_loop(0, CB, unroll=4)
        def _rows(r):
            for j in range(LAT // 16):
                sl = pl.ds(j * 16, 16)
                v = ab[r, sl] + bb[r, sl] + eb[r, sl]
                e = jnp.where(v > 0.0, v, jnp.exp(v) - 1.0)
                y = e * 65537.0
                ab[r, sl] = y - (y - e)

    def scatter(b):
        pltpu.sync_copy(A[b], acc.at[ID[b]], add=True)

    issue(0, 0)
    issue(1, 1)

    def outer(i, carry):
        for b in (0, 1):
            g = 2 * i + b
            waitall(b)
            compute(b)
            scatter(b)

            @pl.when(g + 2 < NCHUNK)
            def _():
                issue(g + 2, b)
        return carry
    lax.fori_loop(0, NCHUNK // 2, outer, None)

    plsc.subcore_barrier()
    pltpu.sync_copy(acc.at[pl.ds(row0, RPT)], out.at[c, pl.ds(row0, RPT)])


@jax.jit
def _msg_pass(hs, hd, ebm, srcp, dstp, z128):
    mesh = plsc.VectorSubcoreMesh(core_axis_name="c", subcore_axis_name="s")
    f = pl.kernel(
        _sc_body,
        mesh=mesh,
        out_type=[
            jax.ShapeDtypeStruct((NC, N_PAD, LAT), jnp.float32),
        ],
        scratch_types=[
            pltpu.VMEM_SHARED((N_PAD, LAT), jnp.float32),
            pltpu.VMEM((CB,), jnp.int32),
            pltpu.VMEM((CB,), jnp.int32),
            pltpu.VMEM((CB,), jnp.int32),
            pltpu.VMEM((CB,), jnp.int32),
            pltpu.VMEM((CB, LAT), jnp.float32),
            pltpu.VMEM((CB, LAT), jnp.float32),
            pltpu.VMEM((CB, LAT), jnp.float32),
            pltpu.VMEM((CB, LAT), jnp.float32),
            pltpu.VMEM((CB, LAT), jnp.float32),
            pltpu.VMEM((CB, LAT), jnp.float32),
            pltpu.SemaphoreType.DMA,
            pltpu.SemaphoreType.DMA,
        ],
    )
    (out,) = f(hs, hd, ebm, srcp, dstp, z128)
    return out


def _deg_body(dstp, z16, outd, accd, idv, ones_v):
    c = lax.axis_index("c")
    s = lax.axis_index("s")
    wid = c * NS + s
    row0 = s * RPT
    ebase0 = wid * EPT

    pltpu.sync_copy(z16.at[pl.ds(row0, RPT)], accd.at[pl.ds(row0, RPT)])

    def fill_ones(r, carry):
        ones_v[r] = jnp.ones((16,), jnp.float32)
        return carry
    lax.fori_loop(0, CBD, fill_ones, None)

    plsc.subcore_barrier()

    def step(g, carry):
        base = ebase0 + g * CBD
        pltpu.sync_copy(dstp.at[pl.ds(base, CBD)], idv)
        pltpu.sync_copy(ones_v, accd.at[idv], add=True)
        return carry
    lax.fori_loop(0, NCHUNKD, step, None)

    plsc.subcore_barrier()
    pltpu.sync_copy(accd.at[pl.ds(row0, RPT)], outd.at[c, pl.ds(row0, RPT)])


@jax.jit
def _deg_pass(dstp, z16):
    mesh = plsc.VectorSubcoreMesh(core_axis_name="c", subcore_axis_name="s")
    f = pl.kernel(
        _deg_body,
        mesh=mesh,
        out_type=[
            jax.ShapeDtypeStruct((NC, N_PAD, DW), jnp.float32),
        ],
        scratch_types=[
            pltpu.VMEM_SHARED((N_PAD, DW), jnp.float32),
            pltpu.VMEM((CBD,), jnp.int32),
            pltpu.VMEM((CBD, DW), jnp.float32),
        ],
    )
    (outd,) = f(dstp, z16)
    return outd


_HI = jax.lax.Precision.HIGHEST
_H3 = jax.lax.Precision.HIGH


def _bf16r(x):
    return x.astype(jnp.bfloat16).astype(jnp.float32)


def _mlp(h, W1, b1, W2, b2):
    return jax.nn.elu(h @ W1 + b1) @ W2 + b2


def _groupnorm(h, gamma, beta, groups=2, eps=1e-5):
    n, ch = h.shape
    hg = h.reshape(n, groups, ch // groups)
    mu = hg.mean(axis=-1, keepdims=True)
    var = hg.var(axis=-1, keepdims=True)
    hg = (hg - mu) / jnp.sqrt(var + eps)
    return hg.reshape(n, ch) * gamma + beta


def kernel(x, edge_index, edge_attr,
           enc_W1, enc_b1, enc_W2, enc_b2,
           msg_W1, msg_b1, msg_W2, msg_b2,
           upd_W1, upd_b1, upd_W2, upd_b2,
           gn_gamma, gn_beta,
           dec_W1, dec_b1, dec_W2, dec_b2):
    src = edge_index[0].astype(jnp.int32)
    dst = edge_index[1].astype(jnp.int32)
    pad_e = E_PAD - E
    srcp = jnp.concatenate([src, jnp.zeros((pad_e,), jnp.int32)])
    dstp = jnp.concatenate([dst, jnp.full((pad_e,), N, jnp.int32)])
    ea_pad = jnp.concatenate(
        [edge_attr, jnp.zeros((pad_e, edge_attr.shape[1]), jnp.float32)], axis=0)
    z128 = jnp.zeros((N_PAD, LAT), jnp.float32)
    z16 = jnp.zeros((N_PAD, DW), jnp.float32)
    zn = jnp.zeros((N_PAD - N, LAT), jnp.float32)

    D2 = _deg_pass(dstp, z16)
    deg = (D2[0] + D2[1])[:N, :1]

    h = jax.nn.elu(_mlp(x, enc_W1, enc_b1, enc_W2, enc_b2))
    for i in range(NLAYERS):
        W1 = msg_W1[i]
        hb = _bf16r(h)
        hs_p = jnp.concatenate(
            [jnp.dot(hb, _bf16r(W1[:LAT]), precision=_HI), zn], axis=0)
        hd_p = jnp.concatenate(
            [jnp.dot(hb, _bf16r(W1[LAT:2 * LAT]), precision=_HI), zn], axis=0)
        ebm = jnp.dot(_bf16r(ea_pad), _bf16r(W1[2 * LAT:]),
                      precision=_HI) + msg_b1[i]
        S2 = _msg_pass(hs_p, hd_p, ebm, srcp, dstp, z128)
        S = (S2[0] + S2[1])[:N]
        agg = jnp.dot(S, _bf16r(msg_W2[i]), precision=_HI) + deg * msg_b2[i]
        u = _mlp(jnp.concatenate([h, agg], axis=-1),
                 upd_W1[i], upd_b1[i], upd_W2[i], upd_b2[i])
        h = _groupnorm(jax.nn.elu(u), gn_gamma, gn_beta)
    return _mlp(h, dec_W1, dec_b1, dec_W2, dec_b2)

# --- scband reference (transcript-rebuilt; emitter-appended) ---
"""Pipeline reference for scband-gns-77017353552321 (READ-ONLY COPY).

The authoritative reference and input builder live on the scoring server;
editing this copy changes nothing except your own understanding.
"""

import jax, jax.numpy as jnp
import numpy as np

N = 10000
E = 320000
D_FEAT = 128
D_EDGE = 4
LATENT = 128
HIDDEN = 128
OUT = 4
N_LAYERS = 4


def _w(k, shape, fan_in):
    return jax.random.normal(k, shape, jnp.float32) * (1.0 / np.sqrt(fan_in))


def setup_inputs(seed: int = 0) -> dict:
    key = jax.random.key(seed)
    ks = jax.random.split(key, 16)
    x = jax.random.normal(ks[0], (N, D_FEAT), jnp.float32)
    edge_index = jax.random.randint(ks[1], (2, E), 0, N)
    edge_attr = jax.random.normal(ks[2], (E, D_EDGE), jnp.float32)
    # encoder MLP: d_feat -> hidden -> latent
    enc_W1 = _w(ks[3], (D_FEAT, HIDDEN), D_FEAT)
    enc_b1 = jnp.zeros((HIDDEN,), jnp.float32)
    enc_W2 = _w(ks[4], (HIDDEN, LATENT), HIDDEN)
    enc_b2 = jnp.zeros((LATENT,), jnp.float32)
    # message MLPs (stacked over layers): (2*latent + d_edge) -> hidden -> latent
    MI = 2 * LATENT + D_EDGE
    msg_W1 = _w(ks[5], (N_LAYERS, MI, HIDDEN), MI)
    msg_b1 = jnp.zeros((N_LAYERS, HIDDEN), jnp.float32)
    msg_W2 = _w(ks[6], (N_LAYERS, HIDDEN, LATENT), HIDDEN)
    msg_b2 = jnp.zeros((N_LAYERS, LATENT), jnp.float32)
    # update MLPs (stacked over layers): (2*latent) -> hidden -> latent
    UI = 2 * LATENT
    upd_W1 = _w(ks[7], (N_LAYERS, UI, HIDDEN), UI)
    upd_b1 = jnp.zeros((N_LAYERS, HIDDEN), jnp.float32)
    upd_W2 = _w(ks[8], (N_LAYERS, HIDDEN, LATENT), HIDDEN)
    upd_b2 = jnp.zeros((N_LAYERS, LATENT), jnp.float32)
    # shared GroupNorm params
    gn_gamma = jnp.ones((LATENT,), jnp.float32)
    gn_beta = jnp.zeros((LATENT,), jnp.float32)
    # decoder MLP: latent -> hidden -> out
    dec_W1 = _w(ks[9], (LATENT, HIDDEN), LATENT)
    dec_b1 = jnp.zeros((HIDDEN,), jnp.float32)
    dec_W2 = _w(ks[10], (HIDDEN, OUT), HIDDEN)
    dec_b2 = jnp.zeros((OUT,), jnp.float32)
    return {
        'x': x, 'edge_index': edge_index, 'edge_attr': edge_attr,
        'enc_W1': enc_W1, 'enc_b1': enc_b1, 'enc_W2': enc_W2, 'enc_b2': enc_b2,
        'msg_W1': msg_W1, 'msg_b1': msg_b1, 'msg_W2': msg_W2, 'msg_b2': msg_b2,
        'upd_W1': upd_W1, 'upd_b1': upd_b1, 'upd_W2': upd_W2, 'upd_b2': upd_b2,
        'gn_gamma': gn_gamma, 'gn_beta': gn_beta,
        'dec_W1': dec_W1, 'dec_b1': dec_b1, 'dec_W2': dec_W2, 'dec_b2': dec_b2,
    }


def _mlp(h, W1, b1, W2, b2):
    return jax.nn.elu(h @ W1 + b1) @ W2 + b2


def _groupnorm(h, gamma, beta, groups=2, eps=1e-5):
    n, c = h.shape
    hg = h.reshape(n, groups, c // groups)
    mu = hg.mean(axis=-1, keepdims=True)
    var = hg.var(axis=-1, keepdims=True)
    hg = (hg - mu) / jnp.sqrt(var + eps)
    return hg.reshape(n, c) * gamma + beta


def reference(x, edge_index, edge_attr,
              enc_W1, enc_b1, enc_W2, enc_b2,
              msg_W1, msg_b1, msg_W2, msg_b2,
              upd_W1, upd_b1, upd_W2, upd_b2,
              gn_gamma, gn_beta,
              dec_W1, dec_b1, dec_W2, dec_b2):
    src = edge_index[0]
    dst = edge_index[1]
    h = jax.nn.elu(_mlp(x, enc_W1, enc_b1, enc_W2, enc_b2))
    for i in range(N_LAYERS):
        m_in = jnp.concatenate([jnp.take(h, src, axis=0), jnp.take(h, dst, axis=0), edge_attr], axis=-1)
        m = _mlp(m_in, msg_W1[i], msg_b1[i], msg_W2[i], msg_b2[i])
        agg = jax.ops.segment_sum(m, dst, num_segments=h.shape[0])
        u = _mlp(jnp.concatenate([h, agg], axis=-1), upd_W1[i], upd_b1[i], upd_W2[i], upd_b2[i])
        h = _groupnorm(jax.nn.elu(u), gn_gamma, gn_beta)
    y_hat = _mlp(h, dec_W1, dec_b1, dec_W2, dec_b2)
    return y_hat

if __name__ == "__main__":
    import jax
    _d = setup_inputs()
    print(jax.jit(kernel)(*tuple(_d.values())))

</pallas_src>

<mosaic_0001>
#map = affine_map<(d0, d1) -> (0)>
#map1 = affine_map<(d0, d1) -> (0, 0)>
#map2 = affine_map<(d0, d1) -> (0, 0, 0)>
module attributes {stable_mosaic.version = 14 : i64} {
  func.func @_deg_body(%arg0: i32, %arg1: i32, %arg2: memref<327680xi32, #tpu.memory_space<hbm>>, %arg3: memref<10112x16xf32, #tpu.memory_space<hbm>>, %arg4: memref<2x10112x16xf32, #tpu.memory_space<hbm>>, %arg5: memref<10112x16xf32, #tpu.memory_space<vmem_shared>>, %arg6: memref<128xi32, #tpu.memory_space<vmem>>, %arg7: memref<128x16xf32, #tpu.memory_space<vmem>>) attributes {dimension_semantics = [#tpu.dimension_semantics<core_parallel>, #tpu.dimension_semantics<subcore_parallel>], iteration_bounds = array<i64: 2, 16>, scalar_prefetch = 0 : i64, scratch_operands = 3 : i64, tpu.core_type = #tpu.core_type<sc_vector_subcore>, window_params = [{transform_indices = #map}, {transform_indices = #map1}, {transform_indices = #map2}]} {
    %mul3A = arith.constant 16 : i32
    %mul3A_0 = arith.muli %arg0, %mul3A : i32
    %add3A = arith.addi %mul3A_0, %arg1 : i32
    %mul3A_1 = arith.constant 632 : i32
    %mul3A_2 = arith.muli %arg1, %mul3A_1 : i32
    %mul3A_3 = arith.constant 10240 : i32
    %mul3A_4 = arith.muli %add3A, %mul3A_3 : i32
    "tpu.region"() ({
      %run_scoped3A = tpu.sem_alloc : memref<!tpu.dma_semaphore, #tpu.memory_space<semaphore_mem>>
      %dma_start3A = arith.constant 0 : i32
      %dma_start3A_15 = tpu.memref_slice %arg5[%mul3A_2, %dma_start3A] : memref<10112x16xf32, #tpu.memory_space<vmem_shared>> -> memref<632x16xf32, #tpu.memory_space<vmem_shared>>
      %dma_start3A_16 = arith.constant 0 : i32
      %dma_start3A_17 = tpu.memref_slice %arg3[%mul3A_2, %dma_start3A_16] : memref<10112x16xf32, #tpu.memory_space<hbm>> -> memref<632x16xf32, #tpu.memory_space<hbm>>
      tpu.enqueue_dma source(%dma_start3A_17 : memref<632x16xf32, #tpu.memory_space<hbm>>) target(%dma_start3A_15 : memref<632x16xf32, #tpu.memory_space<vmem_shared>>) target_semaphore(%run_scoped3A : memref<!tpu.dma_semaphore, #tpu.memory_space<semaphore_mem>>)
      %dma_wait3A = arith.constant 0 : i32
      %dma_wait3A_18 = tpu.memref_slice %arg5[%mul3A_2, %dma_wait3A] : memref<10112x16xf32, #tpu.memory_space<vmem_shared>> -> memref<632x16xf32, #tpu.memory_space<vmem_shared>>
      %dma_wait3A_19 = arith.constant 0 : i32
      %dma_wait3A_20 = tpu.memref_slice %arg3[%mul3A_2, %dma_wait3A_19] : memref<10112x16xf32, #tpu.memory_space<hbm>> -> memref<632x16xf32, #tpu.memory_space<hbm>>
      tpu.wait_dma2 semaphore(%run_scoped3A : memref<!tpu.dma_semaphore, #tpu.memory_space<semaphore_mem>>) src(%dma_wait3A_20 : memref<632x16xf32, #tpu.memory_space<hbm>>) dst(%dma_wait3A_18 : memref<632x16xf32, #tpu.memory_space<vmem_shared>>)
      tpu.yield
    }) : () -> ()
    %scan3A = arith.constant 0 : i32
    %scan3A_5 = arith.constant 128 : i32
    %scan3A_6 = arith.addi %scan3A, %scan3A_5 : i32
    %scan3A_7 = arith.constant 1 : i32
    scf.for %scan3A_15 = %scan3A to %scan3A_6 step %scan3A_7  : i32 {
      %broadcast_in_dim3A = arith.constant 1.000000e+00 : f32
      %broadcast_in_dim3A_16 = vector.broadcast %broadcast_in_dim3A : f32 to vector<16xf32>
      %swap3A = arith.index_cast %scan3A_15 : i32 to index
      %swap3A_17 = arith.constant 0 : index
      %swap3A_18 = tpu.vector_load %arg7[%swap3A, %swap3A_17] {strides = array<i32>} : memref<128x16xf32, #tpu.memory_space<vmem>>, vector<1x16xf32>,
      %swap3A_19 = vector.shape_cast %swap3A_18 : vector<1x16xf32> to vector<16xf32>
      %swap3A_20 = vector.shape_cast %broadcast_in_dim3A_16 : vector<16xf32> to vector<1x16xf32>
      tpu.vector_store %arg7[%swap3A, %swap3A_17], %swap3A_20 {strides = array<i32>} : memref<128x16xf32, #tpu.memory_space<vmem>>, vector<1x16xf32>,
    }
    %scan3A_8 = arith.constant 128 : i32
    %barrier3A = arith.constant 0 : index
    tpu.barrier barrier_id(%barrier3A)
    %scan3A_9 = arith.constant 0 : i32
    %scan3A_10 = arith.constant 80 : i32
    %scan3A_11 = arith.addi %scan3A_9, %scan3A_10 : i32
    %scan3A_12 = arith.constant 1 : i32
    scf.for %scan3A_15 = %scan3A_9 to %scan3A_11 step %scan3A_12  : i32 {
      %mul3A_16 = arith.constant 128 : i32
      %mul3A_17 = arith.muli %scan3A_15, %mul3A_16 : i32
      %add3A_18 = arith.addi %mul3A_4, %mul3A_17 : i32
      "tpu.region"() ({
        %run_scoped3A = tpu.sem_alloc : memref<!tpu.dma_semaphore, #tpu.memory_space<semaphore_mem>>
        %dma_start3A = tpu.memref_slice %arg2[%add3A_18] : memref<327680xi32, #tpu.memory_space<hbm>> -> memref<128xi32, #tpu.memory_space<hbm>>
        %dma_start3A_19 = tpu.memref_slice %arg2[%add3A_18] : memref<327680xi32, #tpu.memory_space<hbm>> -> memref<128xi32, #tpu.memory_space<hbm>>
        tpu.enqueue_dma source(%dma_start3A_19 : memref<128xi32, #tpu.memory_space<hbm>>) target(%arg6 : memref<128xi32, #tpu.memory_space<vmem>>) target_semaphore(%run_scoped3A : memref<!tpu.dma_semaphore, #tpu.memory_space<semaphore_mem>>)
        %dma_wait3A = tpu.memref_slice %arg2[%add3A_18] : memref<327680xi32, #tpu.memory_space<hbm>> -> memref<128xi32, #tpu.memory_space<hbm>>
        %dma_wait3A_20 = tpu.memref_slice %arg2[%add3A_18] : memref<327680xi32, #tpu.memory_space<hbm>> -> memref<128xi32, #tpu.memory_space<hbm>>
        tpu.wait_dma2 semaphore(%run_scoped3A : memref<!tpu.dma_semaphore, #tpu.memory_space<semaphore_mem>>) src(%dma_wait3A_20 : memref<128xi32, #tpu.memory_space<hbm>>) dst(%arg6 : memref<128xi32, #tpu.memory_space<vmem>>)
        tpu.yield
      }) : () -> ()
      "tpu.region"() ({
        %run_scoped3A = tpu.sem_alloc : memref<!tpu.dma_semaphore, #tpu.memory_space<semaphore_mem>>
        %dma_start3A = arith.constant 0 : i32
        %dma_start3A_19 = arith.constant 0 : i32
        %dma_start3A_20 = tpu.memref_slice %arg5[%dma_start3A, %dma_start3A_19] : memref<10112x16xf32, #tpu.memory_space<vmem_shared>> -> memref<10112x16xf32, #tpu.memory_space<vmem_shared>>
        tpu.enqueue_indirect_dma source(%arg7 : memref<128x16xf32, #tpu.memory_space<vmem>>) target(%dma_start3A_20 : memref<10112x16xf32, #tpu.memory_space<vmem_shared>>) offsets(%arg6 : memref<128xi32, #tpu.memory_space<vmem>>) semaphore(%run_scoped3A : memref<!tpu.dma_semaphore, #tpu.memory_space<semaphore_mem>>) {add = true}
        %dma_wait3A = arith.constant 0 : i32
        %dma_wait3A_21 = arith.constant 0 : i32
        %dma_wait3A_22 = tpu.memref_slice %arg5[%dma_wait3A, %dma_wait3A_21] : memref<10112x16xf32, #tpu.memory_space<vmem_shared>> -> memref<10112x16xf32, #tpu.memory_space<vmem_shared>>
        tpu.wait_indirect_dma semaphore(%run_scoped3A : memref<!tpu.dma_semaphore, #tpu.memory_space<semaphore_mem>>) src(%arg7 : memref<128x16xf32, #tpu.memory_space<vmem>>) dst(%dma_wait3A_22 : memref<10112x16xf32, #tpu.memory_space<vmem_shared>>)
        tpu.yield
      }) : () -> ()
    }
    %scan3A_13 = arith.constant 80 : i32
    %barrier3A_14 = arith.constant 0 : index
    tpu.barrier barrier_id(%barrier3A_14)
    "tpu.region"() ({
      %run_scoped3A = tpu.sem_alloc : memref<!tpu.dma_semaphore, #tpu.memory_space<semaphore_mem>>
      %dma_start3A = arith.constant 0 : i32
      %dma_start3A_15 = tpu.memref_slice %arg4[%arg0, %mul3A_2, %dma_start3A] : memref<2x10112x16xf32, #tpu.memory_space<hbm>> -> memref<1x632x16xf32, #tpu.memory_space<hbm>>
      %dma_start3A_16 = tpu.memref_squeeze %dma_start3A_15 : memref<1x632x16xf32, #tpu.memory_space<hbm>> -> memref<632x16xf32, #tpu.memory_space<hbm>>
      %dma_start3A_17 = arith.constant 0 : i32
      %dma_start3A_18 = tpu.memref_slice %arg5[%mul3A_2, %dma_start3A_17] : memref<10112x16xf32, #tpu.memory_space<vmem_shared>> -> memref<632x16xf32, #tpu.memory_space<vmem_shared>>
      tpu.enqueue_dma source(%dma_start3A_18 : memref<632x16xf32, #tpu.memory_space<vmem_shared>>) target(%dma_start3A_16 : memref<632x16xf32, #tpu.memory_space<hbm>>) target_semaphore(%run_scoped3A : memref<!tpu.dma_semaphore, #tpu.memory_space<semaphore_mem>>)
      %dma_wait3A = arith.constant 0 : i32
      %dma_wait3A_19 = tpu.memref_slice %arg4[%arg0, %mul3A_2, %dma_wait3A] : memref<2x10112x16xf32, #tpu.memory_space<hbm>> -> memref<1x632x16xf32, #tpu.memory_space<hbm>>
      %dma_wait3A_20 = tpu.memref_squeeze %dma_wait3A_19 : memref<1x632x16xf32, #tpu.memory_space<hbm>> -> memref<632x16xf32, #tpu.memory_space<hbm>>
      %dma_wait3A_21 = arith.constant 0 : i32
      %dma_wait3A_22 = tpu.memref_slice %arg5[%mul3A_2, %dma_wait3A_21] : memref<10112x16xf32, #tpu.memory_space<vmem_shared>> -> memref<632x16xf32, #tpu.memory_space<vmem_shared>>
      tpu.wait_dma2 semaphore(%run_scoped3A : memref<!tpu.dma_semaphore, #tpu.memory_space<semaphore_mem>>) src(%dma_wait3A_22 : memref<632x16xf32, #tpu.memory_space<vmem_shared>>) dst(%dma_wait3A_20 : memref<632x16xf32, #tpu.memory_space<hbm>>)
      tpu.yield
    }) : () -> ()
    return
  }
}

</mosaic_0001>

<sc_bundles>
// kernel: _deg_pass.3.cloned.1.call-start
scs
__scs_entry_jumppad:
0x0: {  	(pc) =	sbr.rel $0x88, $3  }
0x1: {  	(tag) =	ssettag $0x0;
	lr =	simm.s32 $0x1  }
0x2: {  	[smem:$0x3F9F] =	sst lr;
	_ =	strace $0xD0000000  }
0x3: {  	_ = 	snop  }
0x4: {  	_ = 	snop  }
0x5: {  	_ = 	snop  }
0x6: {  	_ = 	snop  }
0x7: {  	_ = 	snop  }
__scs_overlays_trampoline_lowered:
0x8: {  	[smem:$0x3FAE] =	sst s0  }
0x9: {  	[smem:$0x3FAF] =	sst s1  }
0xa: {  	[smem:$0x3FB0] =	sst s2  }
0xb: {  	[smem:$0x3FB1] =	sst s3  }
0xc: {  	[smem:$0x3FB2] =	sst s4  }
0xd: {  	[smem:$0x3FB3] =	sst s5  }
0xe: {  	[smem:$0x3FB4] =	sst s6  }
0xf: {  	[smem:$0x3FB5] =	sst s7  }
0x10: {  	[smem:$0x3FB6] =	sst s8  }
0x11: {  	[smem:$0x3FB7] =	sst s9;
	s0 =	simm.s32 @!p0 $0x0  }
0x12: {  	s1 =	sld [smem:$0x3F9D];
	s0 =	simm.s32 @p0 $0x1  }
0x13: {  	[smem:$0x3FB8] =	sst s0;
	s0 =	simm.s32 @!p1 $0x0  }
0x14: {  	s2 =	sld [smem:$0x3F9C];
	s0 =	simm.s32 @p1 $0x1  }
0x15: {  	[smem:$0x3FB9] =	sst s0;
	s0 =	simm.s32 @!p2 $0x0  }
0x16: {  	s3 =	sld [smem:$0x3FDB];
	s0 =	simm.s32 @p2 $0x1  }
0x17: {  	s4 =	simm.s32 $0x1BF5;
	[smem:$0x3FBB] =	sst s0  }
0x18: {  	s0 =	sld [smem:$0x3F9E];
	_ =	swait.ge [sflag:s4], $0x0  }
0x19: {  	s7 =	sld [smem:$0x3F9F]  }
0x1a: {  	s8 =	sadd.s32 $0xFFFFE003, lr  }
0x1b: {  	s9 =	sadd.s32 $0xFFFFFEF7, lr;
	s5 =	simm.s32 $0xFFFFFFFF;
	p2 =	slt.u32 s8, $0xFFFFF086  }
0x1c: {  	p1 =	slt.u32 s9, $0xF7A;
	s5 =	simm.s32 @!p2 $0x0  }
0x1d: {  	s5 =	simm.s32 @p1 $0x1;
	p0 =	seq.s32 s7, s2  }
0x1e: {  	s7 =	smul.u32 @!p0 $0xF7A, s2;
	p2 =	seq.s32 @!p0 s5, $0x0  }
0x1f: {  	s9 =	smul.u32 $0xF7A, s1;
	s8 =	simm.s32 @!p0 $0x1BF5;
	p2 =	por !p2, p0  }
0x20: {  	[sflag:s8] =	ssyncset.s32 @!p0 $0xFFFFF086;
	s6 =	sadd.s32 @!p0 s3, s7;
	s7 =	simm.s32 @!p0 $0x108  }
0x21: {  	s3 =	sadd.s32 s3, s9;
	s6 =	sadd.s32 @!p0 $0x88, s6;
	s7 =	simm.s32 @p2 $0x1082  }
0x22: {  	[simem:s7], [sflag:s8] =	dma.local @!p0 [hbm:s6], $0xF7A  }
0x23: {  	s9 =	sor.u32 $0xD0000000, s2;
	s6 =	simm.s32 $0x108;
	_ =	swait.ge @!p0 [sflag:s8], $0x0  }
0x24: {  	s3 =	sadd.s32 $0x88, s3;
	s6 =	simm.s32 @!p1 $0x1082;
	[sflag:s4] =	ssyncset.s32 $0xFFFFF086  }
0x25: {  	[simem:s6], [sflag:s4] =	dma.local [hbm:s3], $0xF7A  }
0x26: {  	[smem:$0x3F9F] =	sst s1;
	(tag) =	ssettag s2;
	_ =	strace s9  }
0x27: {  	s1 =	sld [smem:$0x3FAF]  }
0x28: {  	s2 =	sld [smem:$0x3FB0]  }
0x29: {  	s4 =	sld [smem:$0x3FB2]  }
0x2a: {  	p0 =	seq.s32 s5, $0x0;
	s5 =	sld [smem:$0x3FB3]  }
0x2b: {  	s6 =	sld [smem:$0x3FB4]  }
0x2c: {  	s7 =	sld [smem:$0x3FB5]  }
0x2d: {  	s3 =	simm.s32 $0x108;
	s8 =	sld [smem:$0x3FB6]  }
0x2e: {  	s3 =	simm.s32 @!p0 $0x1082;
	s9 =	sld [smem:$0x3FB7]  }
0x2f: {  	lr =	sadd.s32 s0, s3;
	s0 =	sld [smem:$0x3FAE]  }
0x30: {  	s3 =	sld [smem:$0x3FB1]  }
0x31: {  	[smem:$0x3FBA] =	sst s10  }
0x32: {  	s10 =	sld [smem:$0x3FB8];
	_ =	sdelay $0x3  }
0x33: {  	p0 =	seq.s32 s10, $0x1;
	s10 =	sld [smem:$0x3FBA];
	_ =	sdelay $0x3  }
0x34: {  	[smem:$0x3FBA] =	sst s10  }
0x35: {  	s10 =	sld [smem:$0x3FB9];
	_ =	sdelay $0x3  }
0x36: {  	p1 =	seq.s32 s10, $0x1;
	s10 =	sld [smem:$0x3FBA];
	_ =	sdelay $0x3  }
0x37: {  	[smem:$0x3FBA] =	sst s10  }
0x38: {  	s10 =	sld [smem:$0x3FBB]  }
0x39: {  	_ = 	snop;
	(pc) =	sbr.ind lr, $3  }
0x3a: {  	_ = 	snop  }
0x3b: {  	_ = 	snop  }
0x3c: {  	p2 =	seq.s32 s10, $0x1;
	s10 =	sld [smem:$0x3FBA]  }
0x3d: {  	_ =	shalt  }
0x3e: {  	_ =	shalt  }
0x3f: {  	_ =	shalt  }
0x40: {  	_ =	shalt  }
0x41: {  	_ =	shalt  }
0x42: {  	_ =	shalt  }
0x43: {  	_ =	shalt  }
0x44: {  	_ =	shalt  }
0x45: {  	_ =	shalt  }
0x46: {  	_ =	shalt  }
0x47: {  	_ =	shalt  }
0x48: {  	_ =	shalt  }
0x49: {  	_ =	shalt  }
0x4a: {  	_ =	shalt  }
0x4b: {  	_ =	shalt  }
0x4c: {  	_ =	shalt  }
0x4d: {  	_ =	shalt  }
0x4e: {  	_ =	shalt  }
0x4f: {  	_ =	shalt  }
0x50: {  	_ =	shalt  }
0x51: {  	_ =	shalt  }
0x52: {  	_ =	shalt  }
0x53: {  	_ =	shalt  }
0x54: {  	_ =	shalt  }
0x55: {  	_ =	shalt  }
0x56: {  	_ =	shalt  }
0x57: {  	_ =	shalt  }
0x58: {  	_ =	shalt  }
0x59: {  	_ =	shalt  }
0x5a: {  	_ =	shalt  }
0x5b: {  	_ =	shalt  }
0x5c: {  	_ =	shalt  }
0x5d: {  	_ =	shalt  }
0x5e: {  	_ =	shalt  }
0x5f: {  	_ =	shalt  }
0x60: {  	_ =	shalt  }
0x61: {  	_ =	shalt  }
0x62: {  	_ =	shalt  }
0x63: {  	_ =	shalt  }
0x64: {  	_ =	shalt  }
0x65: {  	_ =	shalt  }
0x66: {  	_ =	shalt  }
0x67: {  	_ =	shalt  }
0x68: {  	_ =	shalt  }
0x69: {  	_ =	shalt  }
0x6a: {  	_ =	shalt  }
0x6b: {  	_ =	shalt  }
0x6c: {  	_ =	shalt  }
0x6d: {  	_ =	shalt  }
0x6e: {  	_ =	shalt  }
0x6f: {  	_ =	shalt  }
0x70: {  	_ =	shalt  }
0x71: {  	_ =	shalt  }
0x72: {  	_ =	shalt  }
0x73: {  	_ =	shalt  }
0x74: {  	_ =	shalt  }
0x75: {  	_ =	shalt  }
0x76: {  	_ =	shalt  }
0x77: {  	_ =	shalt  }
0x78: {  	_ =	shalt  }
0x79: {  	_ =	shalt  }
0x7a: {  	_ =	shalt  }
0x7b: {  	_ =	shalt  }
0x7c: {  	_ =	shalt  }
0x7d: {  	_ =	shalt  }
0x7e: {  	_ =	shalt  }
0x7f: {  	_ =	shalt  }
0x80: {  	_ =	shalt  }
0x81: {  	_ =	shalt  }
0x82: {  	_ =	shalt  }
0x83: {  	_ =	shalt  }
0x84: {  	_ =	shalt  }
0x85: {  	_ =	shalt  }
0x86: {  	_ =	shalt  }
0x87: {  	_ =	shalt  }
.Lfunc_end0:
.L_simem_size_0:
called_computation_lowered:
.L_overlay_start_0:
0x88: {  	s2 =	sld [smem:$0x3FD9]  }
0x89: {  	s3 =	sld [smem:$0x3FFE];
	_ =	sdelay $0x1  }
0x8a: {  	s1 =	srdreg.scid  }
0x8b: {  	s0 =	sand.u32 $0x1, s1  }
0x8c: {  	s17 =	sshll.u32 s0, $0xA;
	s2 =	sadd.s32 s3, s2  }
0x8d: {  	s2 =	sadd.s32 s2, s17  }
0x8e: {  	[smem:$0x3FC6] =	sst s2  }
0x8f: {  	_ = 	snop  }
0x90: {  	s2 =	sld [smem:$0x3FC9];
	(tm) =	ssettm $0x1  }
0x91: {  	s18 =	sld [smem:$0x3FFB];
	_ =	sdelay $0x3  }
0x92: {  	_ =	strace s18  }
0x93: {  	s3 =	sld [smem:$0x3FFC];
	_ =	sdelay $0x3  }
0x94: {  	_ =	strace s3  }
0x95: {  	s3 =	sld [smem:$0x3FFD];
	_ =	sdelay $0x3  }
0x96: {  	_ =	strace s3  }
0x97: {  	_ =	strace $0x8FFFFFFF  }
0x98: {  	s19 =	sld [smem:$0x3FDB];
	_ =	sdelay $0x1  }
0x99: {  	s4 =	simm.s32 $_scs_section_size  }
0x9a: {  	s5 =	simm.s32 $_size__tile_overlayer_lowered;
	s6 =	simm.s32 $_tile_overlayer_lowered  }
0x9b: {  	s22 =	simm.s32 $0x1BFF;
	s21 =	sshll.u32 s6, $0x1;
	s3 =	sadd.s32 s4, s19  }
0x9c: {  	s7 =	simm.s32 $0x0;
	s20 =	sshll.u32 s5, $0x1;
	s5 =	sadd.s32 s21, s3  }
0x9d: {  	[timem:s7], [sflag:s22] =	dma.local [hbm:s5], s20  }
0x9e: {  	_ =	swait.ge [sflag:s22], s20  }
0x9f: {  	s4 =	ssub.s32 $0x0, s20;
	[sflag:s22] =	ssyncset.done $0x0  }
0xa0: {  	[sflag:s22] =	ssyncadd.s32 s4;
	_ =	sdelay $0x1  }
0xa1: {  	s23 =	simm.s32 $0x1B8B  }
0xa2: {  	_ =	swait.ge [sflag:s23], $0x1  }
0xa3: {  	[sflag:s23] =	ssyncset.done $0x0  }
0xa4: {  	s25 =	simm.s32 $0x1B8E;
	s24 =	sld [smem:$0x3FFE];
	[sflag:s23] =	ssyncadd.s32 $0xFFFFFFFF  }
0xa5: {  	s26 =	simm.s32 $execute0_lowered;
	[smem:$0x3FD2] =	sst s25  }
0xa6: {  	s5 =	sshll.u32 s26, $0x1;
	_ =	strace $0x80000046;
	[dreg:$0x1] =	wrdreg $0xFFFFFFFF  }
0xa7: {  	s28 =	simm.s32 $_size_execute0_lowered;
	s3 =	sadd.s32 s3, s5;
	[dreg:$0x0] =	wrdreg $0x0  }
0xa8: {  	s5 =	sshll.u32 s28, $0x1;
	[dreg:$0x2] =	wrdreg s3  }
0xa9: {  	[dreg:$0x3] =	wrdreg s5  }
0xaa: {  	[dreg:$0x4] =	wrdreg $0xC0  }
0xab: {  	_ =	task [dreg:s7], $0x5FFFF  }
0xac: {  	[dreg:$0x1] =	wrdreg $0xFFFFFFFF  }
0xad: {  	[dreg:$0x0] =	wrdreg $0x60  }
0xae: {  	[dreg:$0x2] =	wrdreg s2  }
0xaf: {  	[dreg:$0x3] =	wrdreg s24  }
0xb0: {  	[dreg:$0x4] =	wrdreg $0x0  }
0xb1: {  	[dreg:$0x5] =	wrdreg $0x9  }
0xb2: {  	_ =	task.clear_ibuf [dreg:s7], $0x6FFFF;
	_ =	strace $0x90000046  }
0xb3: {  	s29 =	simm.s32 $0x9;
	_ =	strace $0x80000048  }
0xb4: {  	_ =	swait.ge [sflag:s29], $0x1  }
0xb5: {  	[sflag:s29] =	ssyncadd.s32 $0xFFFFFFFF  }
0xb6: {  	_ =	strace $0x90000048  }
0xb7: {  	_ =	sfence  }
0xb8: {  	s30 =	sld [smem:$0x0];
	_ =	sdelay $0x2  }
0xb9: {  	s31 =	sshll.u32 s1, $0xD;
	s1 =	sshrl.u32 s1, $0x2  }
0xba: {  	s3 =	sand.u32 $0x4000, s31;
	s1 =	sadd.s32 s1, s30  }
0xbb: {  	s0 =	sor.u32 s3, s0;
	s1 =	sshll.u32 s1, $0x11  }
0xbc: {  	s0 =	sor.u32 s1, s0  }
0xbd: {  	s0 =	sadd.s32 $0x8F2B, s0  }
0xbe: {  	[sflag:s0] =	ssyncadd.remote.s32 $0x1  }
0xbf: {  	_ =	sfence.sel $0xFFFF  }
0xc0: {  	[dreg:$0x0] =	wrdreg $0xFFFFFFFF;
	(pc) =	sbr.abs _section_cstart, $3  }
0xc1: {  	[dreg:$0x1] =	wrdreg $0xFFFFFFFF  }
0xc2: {  	_ =	task.clear_ibuf [dreg:s7], $0x2FFFF;
	_ =	strace $0x9FFFFFFF  }
0xc3: {  	(tm) =	ssettm $0x7FFFFFFF  }
tec
execute0_lowered:
.L_overlay_start_1:
0x0: {  	(tag) =	ssettag $0x1  }
0x1: {  	s6 =	rddreg [dreg:$0x0]  }
0x2: {  	s4 =	rddreg [dreg:$0x1];
	s0 =	stileid.u32  }
0x3: {  	s1 =	srdreg.scid;
	s2 =	rddreg [dreg:$0x2]  }
0x4: {  	s3 =	simm.s32 $0x0;
	s13 =	simm.s32 $0x2800;
	s5 =	smul.u32 $0x13C00, s0  }
0x5: {  	s7 =	sand.u32 $0x1, s1;
	s1 =	rddreg [dreg:$0x3];
	s10 =	smul.u32 $0x4F000, s0  }
0x6: {  	s14 =	simm.s32 $0x0;
	[smem:$0x7FF] =	sst s3;
	s12 =	smul.u32 $0x500, s0  }
0x7: {  	s30 =	sshll.u32 s0, $0x6;
	s8 =	smul.u32 $0x13C000, s7;
	_ =	strace $0x80000047  }
0x8: {  	s26 =	ssub.s32 $0x2, s7;
	s7 =	smul.u32 $0x5000, s7;
	s9 =	sshrl.u32 s5, $0x3  }
0x9: {  	s28 =	sshrl.u32 s26, $0x1;
	s29 =	sshrl.u32 s10, $0x2;
	s5 =	sadd.s32 s5, s8  }
0xa: {  	s9 =	sadd.s32 s9, s4;
	s8 =	ssub.s32 s26, s28;
	s10 =	sadd.s32 s29, s2  }
0xb: {  	s31 =	sadd.s32 s7, s6;
	s5 =	sshrl.u32 s5, $0x3;
	s7 =	smax.u32 s8, $0x1  }
0xc: {  	s8 =	sadd.s32 s12, s31;
	s12 =	simm.s32 $0x80;
	s11 =	sadd.s32 s5, s4  }
0xd: {  	s4 =	sadd.s32 $0x400, s9;
	s5 =	sor.u32 $0x1C01, s30;
	s9 =	sshrl.u32 s10, $0x3  }
0xe: {  	v0 =	vimm.f32 $1.000000000e+00;
	s10 =	simm.s32 $0x1;
	s6 =	sadd.s32 $0x27C00, s11;
	s11 =	simm.s32 $0x2780  }
.LBB2_1:
0xf: {  	[spmem:s9], [sflag:s5] =	dma.local [hbm:s4], $0x2780  }
0x10: {  	_ =	swait.ge [sflag:s10], $0x2780  }
0x11: {  	[sflag:s10] =	ssyncset.done $0x0  }
0x12: {  	s15 =	simm.s32 $0x200;
	s16 =	simm.s32 $0x0;
	[sflag:s10] =	ssyncadd.s32 $0xFFFFD880  }
.LBB2_2:
0x13: {  	p0 =	sne.s32 s15, $0xFE00;
	[tilespmem:s16+$0x2800] =	vst v0;
	s16 =	smov.u32 s15;
	s15 =	sadd.s32 $0x200, s15  }
.Ltmp0:
0x14: {  	(pc) =	sbr.rel @p0 .LBB2_2-.Ltmp0, $2  }
0x15: {  	_ =	sdelay $0x2  }
0x16: {  	s16 =	sshra.s32 s16, $0x2  }
0x17: {  	[tilespmem:s16+$0x2800] =	vst v0  }
0x18: {  	s15 =	sadd.s32 $0x0, s8;
	[bflag:$0x0] =	sbarrier.arrive $0xFFFF  }
0x19: {  	[tilespmem:s11], [sflag:$0x1] =	stream.linear.gather [hbm4b:s15+s3], $0x80, $0x38;
	[tilespmem:$0x6800] =	vst v63  }
0x1a: {  	_ =	swait.ge [sflag:s10], $0x80  }
0x1b: {  	[sflag:s10] =	ssyncset.done $0x0  }
0x1c: {  	[sflag:s10] =	ssyncadd.s32 $0xFFFFFF80  }
0x1d: {  	[spmem:s2] =	stream.indirect.scatter.add.f32 [tilespmem:s13], [sflag:$0x1], $0x10, s11, s12, $0xb8;
	[tilespmem:$0x6800] =	vst v63  }
0x1e: {  	_ =	swait.ge [sflag:s10], $0x800  }
0x1f: {  	s16 =	simm.s32 $0x20;
	s15 =	simm.s32 $0x10;
	[sflag:s10] =	ssyncset.done $0x0  }
.LBB2_4:
0x20: {  	s17 =	sadd.s32 s15, s8  }
0x21: {  	[sflag:s10] =	ssyncadd.s32 $0xFFFFF800;
	s15 =	smov.u32 s16;
	s18 =	sadd.s32 $0x10, s16  }
0x22: {  	[tilespmem:s11], [sflag:$0x1] =	stream.linear.gather [hbm4b:s17+s3], $0x80, $0x38;
	[tilespmem:$0x6800] =	vst v63  }
0x23: {  	p0 =	sne.s32 s16, $0x4F0;
	_ =	swait.ge [sflag:s10], $0x80  }
.Ltmp1:
0x24: {  	[sflag:s10] =	ssyncset.done $0x0;
	(pc) =	sbr.rel @p0 .LBB2_4-.Ltmp1, $4  }
0x25: {  	[sflag:s10] =	ssyncadd.s32 $0xFFFFFF80  }
0x26: {  	[spmem:s2] =	stream.indirect.scatter.add.f32 [tilespmem:s13], [sflag:$0x1], $0x10, s11, s12, $0xb8;
	[tilespmem:$0x6800] =	vst v63  }
0x27: {  	_ =	swait.ge [sflag:s10], $0x800  }
0x28: {  	s16 =	smov.u32 s18;
	[sflag:s10] =	ssyncset.done $0x0  }
0x29: {  	s15 =	sadd.s32 s15, s8;
	[sflag:s10] =	ssyncadd.s32 $0xFFFFF800  }
0x2a: {  	[tilespmem:s11], [sflag:$0x1] =	stream.linear.gather [hbm4b:s15+s3], $0x80, $0x38;
	[tilespmem:$0x6800] =	vst v63  }
0x2b: {  	_ =	swait.ge [sflag:s10], $0x80  }
0x2c: {  	[sflag:s10] =	ssyncset.done $0x0  }
0x2d: {  	[sflag:s10] =	ssyncadd.s32 $0xFFFFFF80  }
0x2e: {  	[spmem:s2] =	stream.indirect.scatter.add.f32 [tilespmem:s13], [sflag:$0x1], $0x10, s11, s12, $0xb8;
	[tilespmem:$0x6800] =	vst v63  }
0x2f: {  	_ =	swait.ge [sflag:s10], $0x800  }
0x30: {  	s14 =	sadd.s32 $0x1, s14;
	[sflag:s10] =	ssyncset.done $0x0  }
0x31: {  	p0 =	sne.s32 s14, s7;
	[sflag:s10] =	ssyncadd.s32 $0xFFFFF800  }
.Ltmp2:
0x32: {  	[bflag:$0x0] =	sbarrier.arrive $0xFFFF;
	(pc) =	sbr.rel @p0 .LBB2_1-.Ltmp2, $4  }
0x33: {  	[hbm:s6], [sflag:s5] =	dma.local [spmem:s9], $0x2780  }
0x34: {  	_ =	swait.ge [sflag:s10], $0x2780  }
0x35: {  	[sflag:s10] =	ssyncset.done $0x0  }
0x36: {  	[sflag:s10] =	ssyncadd.s32 $0xFFFFD880  }
0x37: {  	_ =	sfence.sel $0x180000  }
0x38: {  	[bflag:$0x0] =	sbarrier.arrive $0xFFFF  }
0x39: {  	p0 =	sne.s32 s0, $0x0;
	_ =	strace $0x90000047  }
0x3a: {  	s0 =	sadd.s32 @!p0 $0x100000, s1;
	[bflag:$0x2] =	sbarrier.arrive $0xFFFF  }
0x3b: {  	[sflag:s0] =	ssyncadd.tile.s32 @!p0 $0x1;
	_ =	shalt  }
.Lfunc_end2:
_tile_overlayer_lowered:
.L_overlay_start_2:
0x3c: {  	(tag) =	ssettag $0x2  }
0x3d: {  	s0 =	rddreg [dreg:$0x0];
	s2 =	stileid.u32  }
0x3e: {  	s1 =	rddreg [dreg:$0x1];
	p0 =	sne.s32 s2, $0x0  }
0x3f: {  	s3 =	rddreg [dreg:$0x2];
	[bflag:$0x3] =	sbarrier.arrive $0xFFFF;
	s2 =	simm.s32 @!p0 $0x1C01  }
0x40: {  	[timem:s3], [sflag:s2] =	dma.local @!p0 [hbm:s0], s1  }
0x41: {  	s0 =	simm.s32 @!p0 $0x1  }
0x42: {  	_ =	swait.ge @!p0 [sflag:s0], s1  }
0x43: {  	s1 =	ssub.s32 @!p0 $0x0, s1;
	[sflag:s0] =	ssyncset.done @!p0 $0x0  }
0x44: {  	[sflag:s0] =	ssyncadd.s32 @!p0 s1  }
0x45: {  	[bflag:$0x3] =	sbarrier.arrive $0xFFFF  }
0x46: {  	_ =	shalt  }

</sc_bundles>
